<compile_context>
chip_gen: v7x
topology: tpu7x:2x2x1
jax: 0.10.2.dev20260603
libtpu: 0.0.44.dev20260713+nightly
codegen_flags: <defaults>
</compile_context>

<pallas_src>
import functools
import jax
import jax.numpy as jnp
from jax import lax
from jax.experimental import pallas as pl
from jax.experimental.pallas import tpu as pltpu
from jax.experimental.pallas import tpu_sc as plsc

_N = 10000
_E = 320000
_F = 128
_H = 128

_NS = 16
_EPW = _E // _NS
_CH = 128
_NFULL = _EPW // _CH
_TAIL = _EPW - _NFULL * _CH
_RPW = 624
_RREM = _N - _NS * _RPW


def _leaky(x):
    return jnp.where(x >= 0, x, 0.1 * x)



def _stage_a_body(feat_ref, ws1_ref, bs1_ref, ws2_ref, bs2_ref, pq_ref):
    x = feat_ref[...]
    h1 = jnp.dot(x, ws1_ref[...], preferred_element_type=jnp.float32) + bs1_ref[...]
    h1 = _leaky(h1)
    h = jnp.dot(h1, ws2_ref[...], preferred_element_type=jnp.float32) + bs2_ref[...]
    c = jnp.max(h, axis=0, keepdims=True)
    p = jnp.exp(h - c)
    pq_ref[0:_N, :] = p
    pq_ref[_N:2 * _N, :] = p * h


_stage_a = pl.pallas_call(
    _stage_a_body,
    out_shape=jax.ShapeDtypeStruct((2 * _N, _F), jnp.float32),
)



_sc_mesh = plsc.VectorSubcoreMesh(core_axis_name="c", subcore_axis_name="s")


@functools.partial(
    pl.kernel,
    out_type=jax.ShapeDtypeStruct((2, _N, _F), jnp.float32),
    mesh=_sc_mesh,
    scratch_types=[
        pltpu.VMEM((_CH,), jnp.int32),
        pltpu.VMEM((1, _CH), jnp.int32),
        pltpu.VMEM((_CH, _F), jnp.float32),
        pltpu.VMEM((_TAIL,), jnp.int32),
        pltpu.VMEM((1, _TAIL), jnp.int32),
        pltpu.VMEM((_TAIL, _F), jnp.float32),
        pltpu.VMEM_SHARED((_N, _F), jnp.float32),
        pltpu.SemaphoreType.DMA,
    ],
)
def _stage_b(srcs_hbm, dst_hbm, table_hbm, zeros_hbm, out_hbm,
             sidx, didx, rows, sidx_t, didx_t, rows_t, acc, sem):
    c = lax.axis_index("c")
    s = lax.axis_index("s")
    ebase = s * _EPW
    rbase = s * _RPW

    pltpu.sync_copy(zeros_hbm.at[pl.ds(rbase, _RPW)], acc.at[pl.ds(rbase, _RPW)])

    @pl.when(s == _NS - 1)
    def _():
        pltpu.sync_copy(zeros_hbm.at[pl.ds(_NS * _RPW, _RREM)],
                        acc.at[pl.ds(_NS * _RPW, _RREM)])

    plsc.subcore_barrier()

    def chunk(j, carry):
        off = pl.multiple_of(ebase + j * _CH, _CH)
        pltpu.sync_copy(srcs_hbm.at[c, pl.ds(off, _CH)], sidx)
        pltpu.sync_copy(dst_hbm.at[pl.ds(off, _CH)], didx.at[0])
        pltpu.async_copy(table_hbm.at[sidx], rows, sem).wait()
        pltpu.sync_copy(rows, acc.at[didx.at[0]], add=True)
        return carry

    lax.fori_loop(0, _NFULL, chunk, 0)

    off = ebase + _NFULL * _CH
    pltpu.sync_copy(srcs_hbm.at[c, pl.ds(off, _TAIL)], sidx_t)
    pltpu.sync_copy(dst_hbm.at[pl.ds(off, _TAIL)], didx_t.at[0])
    pltpu.async_copy(table_hbm.at[sidx_t], rows_t, sem).wait()
    pltpu.sync_copy(rows_t, acc.at[didx_t.at[0]], add=True)

    plsc.subcore_barrier()
    pltpu.sync_copy(acc.at[pl.ds(rbase, _RPW)], out_hbm.at[c, pl.ds(rbase, _RPW)])

    @pl.when(s == _NS - 1)
    def _():
        pltpu.sync_copy(acc.at[pl.ds(_NS * _RPW, _RREM)],
                        out_hbm.at[c, pl.ds(_NS * _RPW, _RREM)])



def _stage_c_body(es_ref, em_ref, feat_ref, gf_ref, ispo_ref,
                  wn1a_ref, wn1b_ref, bn1_ref, wn2_ref, bn2_ref,
                  wg1_ref, bg1_ref, wg2_ref, bg2_ref,
                  wo1a_ref, wo1b_ref, bo1_ref, wo2_ref, bo2_ref,
                  out_ref):
    es = es_ref[...]
    em = em_ref[...]
    neigh = jnp.where(es > 0, em / es, 0.0)
    feat = feat_ref[...]
    h1 = (jnp.dot(neigh, wn1a_ref[...], preferred_element_type=jnp.float32)
          + jnp.dot(feat, wn1b_ref[...], preferred_element_type=jnp.float32)
          + bn1_ref[...])
    h1 = _leaky(h1)
    h = jnp.dot(h1, wn2_ref[...], preferred_element_type=jnp.float32) + bn2_ref[...]
    mask = ispo_ref[...] != 1
    h = jnp.where(mask, jnp.maximum(h, 0.0), h)
    g1 = _leaky(gf_ref[...] * wg1_ref[...] + bg1_ref[...])
    hg = jnp.dot(g1, wg2_ref[...], preferred_element_type=jnp.float32) + bg2_ref[...]
    o1 = (jnp.dot(h, wo1a_ref[...], preferred_element_type=jnp.float32)
          + jnp.dot(hg, wo1b_ref[...], preferred_element_type=jnp.float32)
          + bo1_ref[...])
    o1 = _leaky(o1)
    out_ref[...] = jnp.dot(o1, wo2_ref[...], preferred_element_type=jnp.float32) + bo2_ref[...]


_stage_c = pl.pallas_call(
    _stage_c_body,
    out_shape=jax.ShapeDtypeStruct((_N, 1), jnp.float32),
)


def kernel(feat, edge_index, is_po, global_feat,
           Ws1, bs1, Ws2, bs2, Wn1, bn1, Wn2, bn2,
           Wg1, bg1, Wg2, bg2, Wo1, bo1, Wo2, bo2):
    src = edge_index[0].astype(jnp.int32)
    dst = edge_index[1].astype(jnp.int32)
    srcs = jnp.stack([src, src + _N])

    pq = _stage_a(feat, Ws1, bs1.reshape(1, -1), Ws2, bs2.reshape(1, -1))

    zeros = jnp.zeros((_N, _F), jnp.float32)
    sums = _stage_b(srcs, dst, pq, zeros)
    es = sums[0]
    em = sums[1]

    out = _stage_c(
        es, em, feat, global_feat, is_po,
        Wn1[:_H], Wn1[_H:], bn1.reshape(1, -1), Wn2, bn2.reshape(1, -1),
        Wg1, bg1.reshape(1, -1), Wg2, bg2.reshape(1, -1),
        Wo1[:_H], Wo1[_H:], bo1.reshape(1, -1), Wo2, bo2.reshape(1, -1),
    )
    return out

# --- scband reference (transcript-rebuilt; emitter-appended) ---
"""Pipeline reference for scband-time-conv-76467597738589 (READ-ONLY COPY).

The authoritative reference and input builder live on the scoring server;
editing this copy changes nothing except your own understanding.
"""

import jax, jax.numpy as jnp
import numpy as np

N = 10000
E = 320000
F = 128
H = 128
HM = 64  # hidden_dim // 2


def _mlp(x, W1, b1, W2, b2):
    h = x @ W1 + b1
    h = jnp.where(h >= 0, h, 0.1 * h)  # LeakyReLU(0.1)
    return h @ W2 + b2


def setup_inputs(seed: int = 0):
    key = jax.random.key(seed)
    ks = jax.random.split(key, 24)
    s = 0.05
    inp = {}
    inp['feat'] = jax.random.normal(ks[0], (N, F), dtype=jnp.float32)
    inp['edge_index'] = jax.random.randint(ks[1], (2, E), 0, N)
    inp['is_po'] = jax.random.randint(ks[2], (N, 1), 0, 2)
    inp['global_feat'] = jax.random.uniform(ks[3], (N, 1), dtype=jnp.float32)
    # mlp_self: MLP(128, 64, 128)
    inp['Ws1'] = jax.random.normal(ks[4], (F, HM), dtype=jnp.float32) * s
    inp['bs1'] = jnp.zeros((HM,), dtype=jnp.float32)
    inp['Ws2'] = jax.random.normal(ks[5], (HM, H), dtype=jnp.float32) * s
    inp['bs2'] = jnp.zeros((H,), dtype=jnp.float32)
    # mlp_neigh_gate: MLP(hidden_dim + infeat_dim = 256, 64, 128)
    inp['Wn1'] = jax.random.normal(ks[6], (H + F, HM), dtype=jnp.float32) * s
    inp['bn1'] = jnp.zeros((HM,), dtype=jnp.float32)
    inp['Wn2'] = jax.random.normal(ks[7], (HM, H), dtype=jnp.float32) * s
    inp['bn2'] = jnp.zeros((H,), dtype=jnp.float32)
    # mlp_global: MLP(1, 64, 128)
    inp['Wg1'] = jax.random.normal(ks[8], (1, HM), dtype=jnp.float32) * s
    inp['bg1'] = jnp.zeros((HM,), dtype=jnp.float32)
    inp['Wg2'] = jax.random.normal(ks[9], (HM, H), dtype=jnp.float32) * s
    inp['bg2'] = jnp.zeros((H,), dtype=jnp.float32)
    # mlp_out: MLP(2*hidden_dim = 256, 128, 1)
    inp['Wo1'] = jax.random.normal(ks[10], (2 * H, H), dtype=jnp.float32) * s
    inp['bo1'] = jnp.zeros((H,), dtype=jnp.float32)
    inp['Wo2'] = jax.random.normal(ks[11], (H, 1), dtype=jnp.float32) * s
    inp['bo2'] = jnp.zeros((1,), dtype=jnp.float32)
    return inp


def reference(feat, edge_index, is_po, global_feat,
              Ws1, bs1, Ws2, bs2, Wn1, bn1, Wn2, bn2,
              Wg1, bg1, Wg2, bg2, Wo1, bo1, Wo2, bo2):
    src = edge_index[0]
    dst = edge_index[1]
    # source node embedding (mlp_self)
    h_src = _mlp(feat, Ws1, bs1, Ws2, bs2)  # [N, H]
    # message_func_gate: m = src['h'] gathered per edge
    m = jnp.take(h_src, src, axis=0)  # [E, H]
    # reduce_func_smoothmax: per-dst, per-feature softmax over incoming messages
    mmax = jax.ops.segment_max(m, dst, num_segments=N)  # [N, H]
    mmax = jnp.where(jnp.isfinite(mmax), mmax, 0.0)
    ex = jnp.exp(m - jnp.take(mmax, dst, axis=0))  # [E, H]
    esum = jax.ops.segment_sum(ex, dst, num_segments=N)  # [N, H]
    w = ex / jnp.take(esum, dst, axis=0)  # softmax weights per edge
    neigh = jax.ops.segment_sum(w * m, dst, num_segments=N)  # [N, H]
    # nodes_func_gate: h = mlp_neigh_gate(cat(neigh, feat)); relu where not PO
    h = _mlp(jnp.concatenate([neigh, feat], axis=1), Wn1, bn1, Wn2, bn2)
    mask = (is_po.squeeze(-1) != 1)
    h = jnp.where(mask[:, None], jnp.maximum(h, 0.0), h)
    # flag_global: global embedding concatenated, then mlp_out -> scalar per node
    hg = _mlp(global_feat, Wg1, bg1, Wg2, bg2)  # [N, H]
    out = _mlp(jnp.concatenate([h, hg], axis=1), Wo1, bo1, Wo2, bo2)  # [N, 1]
    return out

if __name__ == "__main__":
    import jax
    _d = setup_inputs()
    print(jax.jit(kernel)(*tuple(_d.values())))

</pallas_src>

<mosaic_0001>
#map = affine_map<(d0, d1) -> (0, 0)>
#map1 = affine_map<(d0, d1) -> (0)>
#map2 = affine_map<(d0, d1) -> (0, 0, 0)>
module attributes {stable_mosaic.version = 14 : i64} {
  func.func @_stage_b(%arg0: i32, %arg1: i32, %arg2: memref<2x320000xi32, #tpu.memory_space<hbm>>, %arg3: memref<320000xi32, #tpu.memory_space<hbm>>, %arg4: memref<20000x128xf32, #tpu.memory_space<hbm>>, %arg5: memref<10000x128xf32, #tpu.memory_space<hbm>>, %arg6: memref<2x10000x128xf32, #tpu.memory_space<hbm>>, %arg7: memref<128xi32, #tpu.memory_space<vmem>>, %arg8: memref<1x128xi32, #tpu.memory_space<vmem>>, %arg9: memref<128x128xf32, #tpu.memory_space<vmem>>, %arg10: memref<32xi32, #tpu.memory_space<vmem>>, %arg11: memref<1x32xi32, #tpu.memory_space<vmem>>, %arg12: memref<32x128xf32, #tpu.memory_space<vmem>>, %arg13: memref<10000x128xf32, #tpu.memory_space<vmem_shared>>, %arg14: memref<!tpu.dma_semaphore, #tpu.memory_space<semaphore_mem>>) attributes {dimension_semantics = [#tpu.dimension_semantics<core_parallel>, #tpu.dimension_semantics<subcore_parallel>], iteration_bounds = array<i64: 2, 16>, scalar_prefetch = 0 : i64, scratch_operands = 8 : i64, tpu.core_type = #tpu.core_type<sc_vector_subcore>, window_params = [{transform_indices = #map}, {transform_indices = #map1}, {transform_indices = #map}, {transform_indices = #map}, {transform_indices = #map2}]} {
    %mul3A = arith.constant 20000 : i32
    %mul3A_0 = arith.muli %arg1, %mul3A : i32
    %mul3A_1 = arith.constant 624 : i32
    %mul3A_2 = arith.muli %arg1, %mul3A_1 : i32
    "tpu.region"() ({
      %run_scoped3A_22 = tpu.sem_alloc : memref<!tpu.dma_semaphore, #tpu.memory_space<semaphore_mem>>
      %dma_start3A_23 = arith.constant 0 : i32
      %dma_start3A_24 = tpu.memref_slice %arg13[%mul3A_2, %dma_start3A_23] : memref<10000x128xf32, #tpu.memory_space<vmem_shared>> -> memref<624x128xf32, #tpu.memory_space<vmem_shared>>
      %dma_start3A_25 = arith.constant 0 : i32
      %dma_start3A_26 = tpu.memref_slice %arg5[%mul3A_2, %dma_start3A_25] : memref<10000x128xf32, #tpu.memory_space<hbm>> -> memref<624x128xf32, #tpu.memory_space<hbm>>
      tpu.enqueue_dma source(%dma_start3A_26 : memref<624x128xf32, #tpu.memory_space<hbm>>) target(%dma_start3A_24 : memref<624x128xf32, #tpu.memory_space<vmem_shared>>) target_semaphore(%run_scoped3A_22 : memref<!tpu.dma_semaphore, #tpu.memory_space<semaphore_mem>>)
      %dma_wait3A_27 = arith.constant 0 : i32
      %dma_wait3A_28 = tpu.memref_slice %arg13[%mul3A_2, %dma_wait3A_27] : memref<10000x128xf32, #tpu.memory_space<vmem_shared>> -> memref<624x128xf32, #tpu.memory_space<vmem_shared>>
      %dma_wait3A_29 = arith.constant 0 : i32
      %dma_wait3A_30 = tpu.memref_slice %arg5[%mul3A_2, %dma_wait3A_29] : memref<10000x128xf32, #tpu.memory_space<hbm>> -> memref<624x128xf32, #tpu.memory_space<hbm>>
      tpu.wait_dma2 semaphore(%run_scoped3A_22 : memref<!tpu.dma_semaphore, #tpu.memory_space<semaphore_mem>>) src(%dma_wait3A_30 : memref<624x128xf32, #tpu.memory_space<hbm>>) dst(%dma_wait3A_28 : memref<624x128xf32, #tpu.memory_space<vmem_shared>>)
      tpu.yield
    }) : () -> ()
    %eq3A = arith.constant 15 : i32
    %eq3A_3 = arith.cmpi eq, %arg1, %eq3A : i32
    %convert_element_type3A = arith.extui %eq3A_3 : i1 to i32
    %cond3A = arith.constant 0 : i32
    %cond3A_4 = arith.cmpi ne, %convert_element_type3A, %cond3A : i32
    scf.if %cond3A_4 {
      "tpu.region"() ({
        %run_scoped3A_22 = tpu.sem_alloc : memref<!tpu.dma_semaphore, #tpu.memory_space<semaphore_mem>>
        %dma_start3A_23 = arith.constant 9984 : i32
        %dma_start3A_24 = arith.constant 0 : i32
        %dma_start3A_25 = tpu.memref_slice %arg13[%dma_start3A_23, %dma_start3A_24] : memref<10000x128xf32, #tpu.memory_space<vmem_shared>> -> memref<16x128xf32, #tpu.memory_space<vmem_shared>>
        %dma_start3A_26 = arith.constant 9984 : i32
        %dma_start3A_27 = arith.constant 0 : i32
        %dma_start3A_28 = tpu.memref_slice %arg5[%dma_start3A_26, %dma_start3A_27] : memref<10000x128xf32, #tpu.memory_space<hbm>> -> memref<16x128xf32, #tpu.memory_space<hbm>>
        tpu.enqueue_dma source(%dma_start3A_28 : memref<16x128xf32, #tpu.memory_space<hbm>>) target(%dma_start3A_25 : memref<16x128xf32, #tpu.memory_space<vmem_shared>>) target_semaphore(%run_scoped3A_22 : memref<!tpu.dma_semaphore, #tpu.memory_space<semaphore_mem>>)
        %dma_wait3A_29 = arith.constant 9984 : i32
        %dma_wait3A_30 = arith.constant 0 : i32
        %dma_wait3A_31 = tpu.memref_slice %arg13[%dma_wait3A_29, %dma_wait3A_30] : memref<10000x128xf32, #tpu.memory_space<vmem_shared>> -> memref<16x128xf32, #tpu.memory_space<vmem_shared>>
        %dma_wait3A_32 = arith.constant 9984 : i32
        %dma_wait3A_33 = arith.constant 0 : i32
        %dma_wait3A_34 = tpu.memref_slice %arg5[%dma_wait3A_32, %dma_wait3A_33] : memref<10000x128xf32, #tpu.memory_space<hbm>> -> memref<16x128xf32, #tpu.memory_space<hbm>>
        tpu.wait_dma2 semaphore(%run_scoped3A_22 : memref<!tpu.dma_semaphore, #tpu.memory_space<semaphore_mem>>) src(%dma_wait3A_34 : memref<16x128xf32, #tpu.memory_space<hbm>>) dst(%dma_wait3A_31 : memref<16x128xf32, #tpu.memory_space<vmem_shared>>)
        tpu.yield
      }) : () -> ()
    } else {
    }
    %barrier3A = arith.constant 0 : index
    tpu.barrier barrier_id(%barrier3A)
    %scan3A = arith.constant 0 : i32
    %scan3A_5 = arith.constant 0 : i32
    %scan3A_6 = arith.constant 156 : i32
    %scan3A_7 = arith.addi %scan3A_5, %scan3A_6 : i32
    %scan3A_8 = arith.constant 1 : i32
    scf.for %scan3A_22 = %scan3A_5 to %scan3A_7 step %scan3A_8  : i32 {
      %mul3A_23 = arith.constant 128 : i32
      %mul3A_24 = arith.muli %scan3A_22, %mul3A_23 : i32
      %add3A_25 = arith.addi %mul3A_0, %mul3A_24 : i32
      %multiple_of3A = tpu.assume_multiple %add3A_25, 128 : i32
      "tpu.region"() ({
        %run_scoped3A_34 = tpu.sem_alloc : memref<!tpu.dma_semaphore, #tpu.memory_space<semaphore_mem>>
        %dma_start3A_35 = tpu.memref_slice %arg2[%arg0, %multiple_of3A] : memref<2x320000xi32, #tpu.memory_space<hbm>> -> memref<1x128xi32, #tpu.memory_space<hbm>>
        %dma_start3A_36 = tpu.memref_squeeze %dma_start3A_35 : memref<1x128xi32, #tpu.memory_space<hbm>> -> memref<128xi32, #tpu.memory_space<hbm>>
        %dma_start3A_37 = tpu.memref_slice %arg2[%arg0, %multiple_of3A] : memref<2x320000xi32, #tpu.memory_space<hbm>> -> memref<1x128xi32, #tpu.memory_space<hbm>>
        %dma_start3A_38 = tpu.memref_squeeze %dma_start3A_37 : memref<1x128xi32, #tpu.memory_space<hbm>> -> memref<128xi32, #tpu.memory_space<hbm>>
        tpu.enqueue_dma source(%dma_start3A_38 : memref<128xi32, #tpu.memory_space<hbm>>) target(%arg7 : memref<128xi32, #tpu.memory_space<vmem>>) target_semaphore(%run_scoped3A_34 : memref<!tpu.dma_semaphore, #tpu.memory_space<semaphore_mem>>)
        %dma_wait3A_39 = tpu.memref_slice %arg2[%arg0, %multiple_of3A] : memref<2x320000xi32, #tpu.memory_space<hbm>> -> memref<1x128xi32, #tpu.memory_space<hbm>>
        %dma_wait3A_40 = tpu.memref_squeeze %dma_wait3A_39 : memref<1x128xi32, #tpu.memory_space<hbm>> -> memref<128xi32, #tpu.memory_space<hbm>>
        %dma_wait3A_41 = tpu.memref_slice %arg2[%arg0, %multiple_of3A] : memref<2x320000xi32, #tpu.memory_space<hbm>> -> memref<1x128xi32, #tpu.memory_space<hbm>>
        %dma_wait3A_42 = tpu.memref_squeeze %dma_wait3A_41 : memref<1x128xi32, #tpu.memory_space<hbm>> -> memref<128xi32, #tpu.memory_space<hbm>>
        tpu.wait_dma2 semaphore(%run_scoped3A_34 : memref<!tpu.dma_semaphore, #tpu.memory_space<semaphore_mem>>) src(%dma_wait3A_42 : memref<128xi32, #tpu.memory_space<hbm>>) dst(%arg7 : memref<128xi32, #tpu.memory_space<vmem>>)
        tpu.yield
      }) : () -> ()
      %run_scoped3A_26 = arith.constant 0 : i32
      "tpu.region"() ({
        %run_scoped3A_34 = tpu.sem_alloc : memref<!tpu.dma_semaphore, #tpu.memory_space<semaphore_mem>>
        %dma_start3A_35 = arith.constant 0 : i32
        %dma_start3A_36 = tpu.memref_slice %arg8[%run_scoped3A_26, %dma_start3A_35] : memref<1x128xi32, #tpu.memory_space<vmem>> -> memref<1x128xi32, #tpu.memory_space<vmem>>
        %dma_start3A_37 = tpu.memref_squeeze %dma_start3A_36 : memref<1x128xi32, #tpu.memory_space<vmem>> -> memref<128xi32, #tpu.memory_space<vmem>>
        %dma_start3A_38 = tpu.memref_slice %arg3[%multiple_of3A] : memref<320000xi32, #tpu.memory_space<hbm>> -> memref<128xi32, #tpu.memory_space<hbm>>
        %dma_start3A_39 = arith.constant 0 : i32
        %dma_start3A_40 = tpu.memref_slice %arg8[%run_scoped3A_26, %dma_start3A_39] : memref<1x128xi32, #tpu.memory_space<vmem>> -> memref<1x128xi32, #tpu.memory_space<vmem>>
        %dma_start3A_41 = tpu.memref_squeeze %dma_start3A_40 : memref<1x128xi32, #tpu.memory_space<vmem>> -> memref<128xi32, #tpu.memory_space<vmem>>
        %dma_start3A_42 = tpu.memref_slice %arg3[%multiple_of3A] : memref<320000xi32, #tpu.memory_space<hbm>> -> memref<128xi32, #tpu.memory_space<hbm>>
        tpu.enqueue_dma source(%dma_start3A_42 : memref<128xi32, #tpu.memory_space<hbm>>) target(%dma_start3A_41 : memref<128xi32, #tpu.memory_space<vmem>>) target_semaphore(%run_scoped3A_34 : memref<!tpu.dma_semaphore, #tpu.memory_space<semaphore_mem>>)
        %dma_wait3A_43 = arith.constant 0 : i32
        %dma_wait3A_44 = tpu.memref_slice %arg8[%run_scoped3A_26, %dma_wait3A_43] : memref<1x128xi32, #tpu.memory_space<vmem>> -> memref<1x128xi32, #tpu.memory_space<vmem>>
        %dma_wait3A_45 = tpu.memref_squeeze %dma_wait3A_44 : memref<1x128xi32, #tpu.memory_space<vmem>> -> memref<128xi32, #tpu.memory_space<vmem>>
        %dma_wait3A_46 = tpu.memref_slice %arg3[%multiple_of3A] : memref<320000xi32, #tpu.memory_space<hbm>> -> memref<128xi32, #tpu.memory_space<hbm>>
        %dma_wait3A_47 = arith.constant 0 : i32
        %dma_wait3A_48 = tpu.memref_slice %arg8[%run_scoped3A_26, %dma_wait3A_47] : memref<1x128xi32, #tpu.memory_space<vmem>> -> memref<1x128xi32, #tpu.memory_space<vmem>>
        %dma_wait3A_49 = tpu.memref_squeeze %dma_wait3A_48 : memref<1x128xi32, #tpu.memory_space<vmem>> -> memref<128xi32, #tpu.memory_space<vmem>>
        %dma_wait3A_50 = tpu.memref_slice %arg3[%multiple_of3A] : memref<320000xi32, #tpu.memory_space<hbm>> -> memref<128xi32, #tpu.memory_space<hbm>>
        tpu.wait_dma2 semaphore(%run_scoped3A_34 : memref<!tpu.dma_semaphore, #tpu.memory_space<semaphore_mem>>) src(%dma_wait3A_50 : memref<128xi32, #tpu.memory_space<hbm>>) dst(%dma_wait3A_49 : memref<128xi32, #tpu.memory_space<vmem>>)
        tpu.yield
      }) : () -> ()
      %dma_start3A_27 = arith.constant 0 : i32
      %dma_start3A_28 = arith.constant 0 : i32
      %dma_start3A_29 = tpu.memref_slice %arg4[%dma_start3A_27, %dma_start3A_28] : memref<20000x128xf32, #tpu.memory_space<hbm>> -> memref<20000x128xf32, #tpu.memory_space<hbm>>
      tpu.enqueue_indirect_dma source(%dma_start3A_29 : memref<20000x128xf32, #tpu.memory_space<hbm>>) target(%arg9 : memref<128x128xf32, #tpu.memory_space<vmem>>) offsets(%arg7 : memref<128xi32, #tpu.memory_space<vmem>>) semaphore(%arg14 : memref<!tpu.dma_semaphore, #tpu.memory_space<semaphore_mem>>)
      %dma_wait3A_30 = arith.constant 0 : i32
      %dma_wait3A_31 = arith.constant 0 : i32
      %dma_wait3A_32 = tpu.memref_slice %arg4[%dma_wait3A_30, %dma_wait3A_31] : memref<20000x128xf32, #tpu.memory_space<hbm>> -> memref<20000x128xf32, #tpu.memory_space<hbm>>
      tpu.wait_indirect_dma semaphore(%arg14 : memref<!tpu.dma_semaphore, #tpu.memory_space<semaphore_mem>>) src(%dma_wait3A_32 : memref<20000x128xf32, #tpu.memory_space<hbm>>) dst(%arg9 : memref<128x128xf32, #tpu.memory_space<vmem>>)
      %run_scoped3A_33 = arith.constant 0 : i32
      "tpu.region"() ({
        %run_scoped3A_34 = tpu.sem_alloc : memref<!tpu.dma_semaphore, #tpu.memory_space<semaphore_mem>>
        %dma_start3A_35 = arith.constant 0 : i32
        %dma_start3A_36 = tpu.memref_slice %arg8[%run_scoped3A_33, %dma_start3A_35] : memref<1x128xi32, #tpu.memory_space<vmem>> -> memref<1x128xi32, #tpu.memory_space<vmem>>
        %dma_start3A_37 = tpu.memref_squeeze %dma_start3A_36 : memref<1x128xi32, #tpu.memory_space<vmem>> -> memref<128xi32, #tpu.memory_space<vmem>>
        %dma_start3A_38 = arith.constant 0 : i32
        %dma_start3A_39 = arith.constant 0 : i32
        %dma_start3A_40 = tpu.memref_slice %arg13[%dma_start3A_38, %dma_start3A_39] : memref<10000x128xf32, #tpu.memory_space<vmem_shared>> -> memref<10000x128xf32, #tpu.memory_space<vmem_shared>>
        tpu.enqueue_indirect_dma source(%arg9 : memref<128x128xf32, #tpu.memory_space<vmem>>) target(%dma_start3A_40 : memref<10000x128xf32, #tpu.memory_space<vmem_shared>>) offsets(%dma_start3A_37 : memref<128xi32, #tpu.memory_space<vmem>>) semaphore(%run_scoped3A_34 : memref<!tpu.dma_semaphore, #tpu.memory_space<semaphore_mem>>) {add = true}
        %dma_wait3A_41 = arith.constant 0 : i32
        %dma_wait3A_42 = tpu.memref_slice %arg8[%run_scoped3A_33, %dma_wait3A_41] : memref<1x128xi32, #tpu.memory_space<vmem>> -> memref<1x128xi32, #tpu.memory_space<vmem>>
        %dma_wait3A_43 = tpu.memref_squeeze %dma_wait3A_42 : memref<1x128xi32, #tpu.memory_space<vmem>> -> memref<128xi32, #tpu.memory_space<vmem>>
        %dma_wait3A_44 = arith.constant 0 : i32
        %dma_wait3A_45 = arith.constant 0 : i32
        %dma_wait3A_46 = tpu.memref_slice %arg13[%dma_wait3A_44, %dma_wait3A_45] : memref<10000x128xf32, #tpu.memory_space<vmem_shared>> -> memref<10000x128xf32, #tpu.memory_space<vmem_shared>>
        tpu.wait_indirect_dma semaphore(%run_scoped3A_34 : memref<!tpu.dma_semaphore, #tpu.memory_space<semaphore_mem>>) src(%arg9 : memref<128x128xf32, #tpu.memory_space<vmem>>) dst(%dma_wait3A_46 : memref<10000x128xf32, #tpu.memory_space<vmem_shared>>)
        tpu.yield
      }) : () -> ()
    }
    %scan3A_9 = arith.constant 156 : i32
    %add3A = arith.constant 19968 : i32
    %add3A_10 = arith.addi %mul3A_0, %add3A : i32
    "tpu.region"() ({
      %run_scoped3A_22 = tpu.sem_alloc : memref<!tpu.dma_semaphore, #tpu.memory_space<semaphore_mem>>
      %dma_start3A_23 = tpu.memref_slice %arg2[%arg0, %add3A_10] : memref<2x320000xi32, #tpu.memory_space<hbm>> -> memref<1x32xi32, #tpu.memory_space<hbm>>
      %dma_start3A_24 = tpu.memref_squeeze %dma_start3A_23 : memref<1x32xi32, #tpu.memory_space<hbm>> -> memref<32xi32, #tpu.memory_space<hbm>>
      %dma_start3A_25 = tpu.memref_slice %arg2[%arg0, %add3A_10] : memref<2x320000xi32, #tpu.memory_space<hbm>> -> memref<1x32xi32, #tpu.memory_space<hbm>>
      %dma_start3A_26 = tpu.memref_squeeze %dma_start3A_25 : memref<1x32xi32, #tpu.memory_space<hbm>> -> memref<32xi32, #tpu.memory_space<hbm>>
      tpu.enqueue_dma source(%dma_start3A_26 : memref<32xi32, #tpu.memory_space<hbm>>) target(%arg10 : memref<32xi32, #tpu.memory_space<vmem>>) target_semaphore(%run_scoped3A_22 : memref<!tpu.dma_semaphore, #tpu.memory_space<semaphore_mem>>)
      %dma_wait3A_27 = tpu.memref_slice %arg2[%arg0, %add3A_10] : memref<2x320000xi32, #tpu.memory_space<hbm>> -> memref<1x32xi32, #tpu.memory_space<hbm>>
      %dma_wait3A_28 = tpu.memref_squeeze %dma_wait3A_27 : memref<1x32xi32, #tpu.memory_space<hbm>> -> memref<32xi32, #tpu.memory_space<hbm>>
      %dma_wait3A_29 = tpu.memref_slice %arg2[%arg0, %add3A_10] : memref<2x320000xi32, #tpu.memory_space<hbm>> -> memref<1x32xi32, #tpu.memory_space<hbm>>
      %dma_wait3A_30 = tpu.memref_squeeze %dma_wait3A_29 : memref<1x32xi32, #tpu.memory_space<hbm>> -> memref<32xi32, #tpu.memory_space<hbm>>
      tpu.wait_dma2 semaphore(%run_scoped3A_22 : memref<!tpu.dma_semaphore, #tpu.memory_space<semaphore_mem>>) src(%dma_wait3A_30 : memref<32xi32, #tpu.memory_space<hbm>>) dst(%arg10 : memref<32xi32, #tpu.memory_space<vmem>>)
      tpu.yield
    }) : () -> ()
    %run_scoped3A = arith.constant 0 : i32
    "tpu.region"() ({
      %run_scoped3A_22 = tpu.sem_alloc : memref<!tpu.dma_semaphore, #tpu.memory_space<semaphore_mem>>
      %dma_start3A_23 = arith.constant 0 : i32
      %dma_start3A_24 = tpu.memref_slice %arg11[%run_scoped3A, %dma_start3A_23] : memref<1x32xi32, #tpu.memory_space<vmem>> -> memref<1x32xi32, #tpu.memory_space<vmem>>
      %dma_start3A_25 = tpu.memref_squeeze %dma_start3A_24 : memref<1x32xi32, #tpu.memory_space<vmem>> -> memref<32xi32, #tpu.memory_space<vmem>>
      %dma_start3A_26 = tpu.memref_slice %arg3[%add3A_10] : memref<320000xi32, #tpu.memory_space<hbm>> -> memref<32xi32, #tpu.memory_space<hbm>>
      %dma_start3A_27 = arith.constant 0 : i32
      %dma_start3A_28 = tpu.memref_slice %arg11[%run_scoped3A, %dma_start3A_27] : memref<1x32xi32, #tpu.memory_space<vmem>> -> memref<1x32xi32, #tpu.memory_space<vmem>>
      %dma_start3A_29 = tpu.memref_squeeze %dma_start3A_28 : memref<1x32xi32, #tpu.memory_space<vmem>> -> memref<32xi32, #tpu.memory_space<vmem>>
      %dma_start3A_30 = tpu.memref_slice %arg3[%add3A_10] : memref<320000xi32, #tpu.memory_space<hbm>> -> memref<32xi32, #tpu.memory_space<hbm>>
      tpu.enqueue_dma source(%dma_start3A_30 : memref<32xi32, #tpu.memory_space<hbm>>) target(%dma_start3A_29 : memref<32xi32, #tpu.memory_space<vmem>>) target_semaphore(%run_scoped3A_22 : memref<!tpu.dma_semaphore, #tpu.memory_space<semaphore_mem>>)
      %dma_wait3A_31 = arith.constant 0 : i32
      %dma_wait3A_32 = tpu.memref_slice %arg11[%run_scoped3A, %dma_wait3A_31] : memref<1x32xi32, #tpu.memory_space<vmem>> -> memref<1x32xi32, #tpu.memory_space<vmem>>
      %dma_wait3A_33 = tpu.memref_squeeze %dma_wait3A_32 : memref<1x32xi32, #tpu.memory_space<vmem>> -> memref<32xi32, #tpu.memory_space<vmem>>
      %dma_wait3A_34 = tpu.memref_slice %arg3[%add3A_10] : memref<320000xi32, #tpu.memory_space<hbm>> -> memref<32xi32, #tpu.memory_space<hbm>>
      %dma_wait3A_35 = arith.constant 0 : i32
      %dma_wait3A_36 = tpu.memref_slice %arg11[%run_scoped3A, %dma_wait3A_35] : memref<1x32xi32, #tpu.memory_space<vmem>> -> memref<1x32xi32, #tpu.memory_space<vmem>>
      %dma_wait3A_37 = tpu.memref_squeeze %dma_wait3A_36 : memref<1x32xi32, #tpu.memory_space<vmem>> -> memref<32xi32, #tpu.memory_space<vmem>>
      %dma_wait3A_38 = tpu.memref_slice %arg3[%add3A_10] : memref<320000xi32, #tpu.memory_space<hbm>> -> memref<32xi32, #tpu.memory_space<hbm>>
      tpu.wait_dma2 semaphore(%run_scoped3A_22 : memref<!tpu.dma_semaphore, #tpu.memory_space<semaphore_mem>>) src(%dma_wait3A_38 : memref<32xi32, #tpu.memory_space<hbm>>) dst(%dma_wait3A_37 : memref<32xi32, #tpu.memory_space<vmem>>)
      tpu.yield
    }) : () -> ()
    %dma_start3A = arith.constant 0 : i32
    %dma_start3A_11 = arith.constant 0 : i32
    %dma_start3A_12 = tpu.memref_slice %arg4[%dma_start3A, %dma_start3A_11] : memref<20000x128xf32, #tpu.memory_space<hbm>> -> memref<20000x128xf32, #tpu.memory_space<hbm>>
    tpu.enqueue_indirect_dma source(%dma_start3A_12 : memref<20000x128xf32, #tpu.memory_space<hbm>>) target(%arg12 : memref<32x128xf32, #tpu.memory_space<vmem>>) offsets(%arg10 : memref<32xi32, #tpu.memory_space<vmem>>) semaphore(%arg14 : memref<!tpu.dma_semaphore, #tpu.memory_space<semaphore_mem>>)
    %dma_wait3A = arith.constant 0 : i32
    %dma_wait3A_13 = arith.constant 0 : i32
    %dma_wait3A_14 = tpu.memref_slice %arg4[%dma_wait3A, %dma_wait3A_13] : memref<20000x128xf32, #tpu.memory_space<hbm>> -> memref<20000x128xf32, #tpu.memory_space<hbm>>
    tpu.wait_indirect_dma semaphore(%arg14 : memref<!tpu.dma_semaphore, #tpu.memory_space<semaphore_mem>>) src(%dma_wait3A_14 : memref<20000x128xf32, #tpu.memory_space<hbm>>) dst(%arg12 : memref<32x128xf32, #tpu.memory_space<vmem>>)
    %run_scoped3A_15 = arith.constant 0 : i32
    "tpu.region"() ({
      %run_scoped3A_22 = tpu.sem_alloc : memref<!tpu.dma_semaphore, #tpu.memory_space<semaphore_mem>>
      %dma_start3A_23 = arith.constant 0 : i32
      %dma_start3A_24 = tpu.memref_slice %arg11[%run_scoped3A_15, %dma_start3A_23] : memref<1x32xi32, #tpu.memory_space<vmem>> -> memref<1x32xi32, #tpu.memory_space<vmem>>
      %dma_start3A_25 = tpu.memref_squeeze %dma_start3A_24 : memref<1x32xi32, #tpu.memory_space<vmem>> -> memref<32xi32, #tpu.memory_space<vmem>>
      %dma_start3A_26 = arith.constant 0 : i32
      %dma_start3A_27 = arith.constant 0 : i32
      %dma_start3A_28 = tpu.memref_slice %arg13[%dma_start3A_26, %dma_start3A_27] : memref<10000x128xf32, #tpu.memory_space<vmem_shared>> -> memref<10000x128xf32, #tpu.memory_space<vmem_shared>>
      tpu.enqueue_indirect_dma source(%arg12 : memref<32x128xf32, #tpu.memory_space<vmem>>) target(%dma_start3A_28 : memref<10000x128xf32, #tpu.memory_space<vmem_shared>>) offsets(%dma_start3A_25 : memref<32xi32, #tpu.memory_space<vmem>>) semaphore(%run_scoped3A_22 : memref<!tpu.dma_semaphore, #tpu.memory_space<semaphore_mem>>) {add = true}
      %dma_wait3A_29 = arith.constant 0 : i32
      %dma_wait3A_30 = tpu.memref_slice %arg11[%run_scoped3A_15, %dma_wait3A_29] : memref<1x32xi32, #tpu.memory_space<vmem>> -> memref<1x32xi32, #tpu.memory_space<vmem>>
      %dma_wait3A_31 = tpu.memref_squeeze %dma_wait3A_30 : memref<1x32xi32, #tpu.memory_space<vmem>> -> memref<32xi32, #tpu.memory_space<vmem>>
      %dma_wait3A_32 = arith.constant 0 : i32
      %dma_wait3A_33 = arith.constant 0 : i32
      %dma_wait3A_34 = tpu.memref_slice %arg13[%dma_wait3A_32, %dma_wait3A_33] : memref<10000x128xf32, #tpu.memory_space<vmem_shared>> -> memref<10000x128xf32, #tpu.memory_space<vmem_shared>>
      tpu.wait_indirect_dma semaphore(%run_scoped3A_22 : memref<!tpu.dma_semaphore, #tpu.memory_space<semaphore_mem>>) src(%arg12 : memref<32x128xf32, #tpu.memory_space<vmem>>) dst(%dma_wait3A_34 : memref<10000x128xf32, #tpu.memory_space<vmem_shared>>)
      tpu.yield
    }) : () -> ()
    %barrier3A_16 = arith.constant 0 : index
    tpu.barrier barrier_id(%barrier3A_16)
    "tpu.region"() ({
      %run_scoped3A_22 = tpu.sem_alloc : memref<!tpu.dma_semaphore, #tpu.memory_space<semaphore_mem>>
      %dma_start3A_23 = arith.constant 0 : i32
      %dma_start3A_24 = tpu.memref_slice %arg6[%arg0, %mul3A_2, %dma_start3A_23] : memref<2x10000x128xf32, #tpu.memory_space<hbm>> -> memref<1x624x128xf32, #tpu.memory_space<hbm>>
      %dma_start3A_25 = tpu.memref_squeeze %dma_start3A_24 : memref<1x624x128xf32, #tpu.memory_space<hbm>> -> memref<624x128xf32, #tpu.memory_space<hbm>>
      %dma_start3A_26 = arith.constant 0 : i32
      %dma_start3A_27 = tpu.memref_slice %arg13[%mul3A_2, %dma_start3A_26] : memref<10000x128xf32, #tpu.memory_space<vmem_shared>> -> memref<624x128xf32, #tpu.memory_space<vmem_shared>>
      tpu.enqueue_dma source(%dma_start3A_27 : memref<624x128xf32, #tpu.memory_space<vmem_shared>>) target(%dma_start3A_25 : memref<624x128xf32, #tpu.memory_space<hbm>>) target_semaphore(%run_scoped3A_22 : memref<!tpu.dma_semaphore, #tpu.memory_space<semaphore_mem>>)
      %dma_wait3A_28 = arith.constant 0 : i32
      %dma_wait3A_29 = tpu.memref_slice %arg6[%arg0, %mul3A_2, %dma_wait3A_28] : memref<2x10000x128xf32, #tpu.memory_space<hbm>> -> memref<1x624x128xf32, #tpu.memory_space<hbm>>
      %dma_wait3A_30 = tpu.memref_squeeze %dma_wait3A_29 : memref<1x624x128xf32, #tpu.memory_space<hbm>> -> memref<624x128xf32, #tpu.memory_space<hbm>>
      %dma_wait3A_31 = arith.constant 0 : i32
      %dma_wait3A_32 = tpu.memref_slice %arg13[%mul3A_2, %dma_wait3A_31] : memref<10000x128xf32, #tpu.memory_space<vmem_shared>> -> memref<624x128xf32, #tpu.memory_space<vmem_shared>>
      tpu.wait_dma2 semaphore(%run_scoped3A_22 : memref<!tpu.dma_semaphore, #tpu.memory_space<semaphore_mem>>) src(%dma_wait3A_32 : memref<624x128xf32, #tpu.memory_space<vmem_shared>>) dst(%dma_wait3A_30 : memref<624x128xf32, #tpu.memory_space<hbm>>)
      tpu.yield
    }) : () -> ()
    %eq3A_17 = arith.constant 15 : i32
    %eq3A_18 = arith.cmpi eq, %arg1, %eq3A_17 : i32
    %convert_element_type3A_19 = arith.extui %eq3A_18 : i1 to i32
    %cond3A_20 = arith.constant 0 : i32
    %cond3A_21 = arith.cmpi ne, %convert_element_type3A_19, %cond3A_20 : i32
    scf.if %cond3A_21 {
      "tpu.region"() ({
        %run_scoped3A_22 = tpu.sem_alloc : memref<!tpu.dma_semaphore, #tpu.memory_space<semaphore_mem>>
        %dma_start3A_23 = arith.constant 9984 : i32
        %dma_start3A_24 = arith.constant 0 : i32
        %dma_start3A_25 = tpu.memref_slice %arg6[%arg0, %dma_start3A_23, %dma_start3A_24] : memref<2x10000x128xf32, #tpu.memory_space<hbm>> -> memref<1x16x128xf32, #tpu.memory_space<hbm>>
        %dma_start3A_26 = tpu.memref_squeeze %dma_start3A_25 : memref<1x16x128xf32, #tpu.memory_space<hbm>> -> memref<16x128xf32, #tpu.memory_space<hbm>>
        %dma_start3A_27 = arith.constant 9984 : i32
        %dma_start3A_28 = arith.constant 0 : i32
        %dma_start3A_29 = tpu.memref_slice %arg13[%dma_start3A_27, %dma_start3A_28] : memref<10000x128xf32, #tpu.memory_space<vmem_shared>> -> memref<16x128xf32, #tpu.memory_space<vmem_shared>>
        tpu.enqueue_dma source(%dma_start3A_29 : memref<16x128xf32, #tpu.memory_space<vmem_shared>>) target(%dma_start3A_26 : memref<16x128xf32, #tpu.memory_space<hbm>>) target_semaphore(%run_scoped3A_22 : memref<!tpu.dma_semaphore, #tpu.memory_space<semaphore_mem>>)
        %dma_wait3A_30 = arith.constant 9984 : i32
        %dma_wait3A_31 = arith.constant 0 : i32
        %dma_wait3A_32 = tpu.memref_slice %arg6[%arg0, %dma_wait3A_30, %dma_wait3A_31] : memref<2x10000x128xf32, #tpu.memory_space<hbm>> -> memref<1x16x128xf32, #tpu.memory_space<hbm>>
        %dma_wait3A_33 = tpu.memref_squeeze %dma_wait3A_32 : memref<1x16x128xf32, #tpu.memory_space<hbm>> -> memref<16x128xf32, #tpu.memory_space<hbm>>
        %dma_wait3A_34 = arith.constant 9984 : i32
        %dma_wait3A_35 = arith.constant 0 : i32
        %dma_wait3A_36 = tpu.memref_slice %arg13[%dma_wait3A_34, %dma_wait3A_35] : memref<10000x128xf32, #tpu.memory_space<vmem_shared>> -> memref<16x128xf32, #tpu.memory_space<vmem_shared>>
        tpu.wait_dma2 semaphore(%run_scoped3A_22 : memref<!tpu.dma_semaphore, #tpu.memory_space<semaphore_mem>>) src(%dma_wait3A_36 : memref<16x128xf32, #tpu.memory_space<vmem_shared>>) dst(%dma_wait3A_33 : memref<16x128xf32, #tpu.memory_space<hbm>>)
        tpu.yield
      }) : () -> ()
    } else {
    }
    return
  }
}

module attributes {stable_mosaic.version = 14 : i64} {
  func.func @_stage_a_body(%arg0: memref<10000x128xf32, #tpu.memory_space<vmem>>, %arg1: memref<128x64xf32, #tpu.memory_space<vmem>>, %arg2: memref<1x64xf32, #tpu.memory_space<vmem>>, %arg3: memref<64x128xf32, #tpu.memory_space<vmem>>, %arg4: memref<1x128xf32, #tpu.memory_space<vmem>>, %arg5: memref<20000x128xf32, #tpu.memory_space<vmem>>) attributes {dimension_semantics = [], scalar_prefetch = 0 : i64, scratch_operands = 0 : i64, tpu.core_type = #tpu.core_type<tc>} {
    %get3A = arith.constant 0 : index
    %get3A_0 = arith.constant 0 : index
    %get3A_1 = vector.load %arg0[%get3A, %get3A_0] : memref<10000x128xf32, #tpu.memory_space<vmem>>, vector<10000x128xf32>
    %get3A_2 = arith.constant 0 : index
    %get3A_3 = arith.constant 0 : index
    %get3A_4 = vector.load %arg1[%get3A_2, %get3A_3] : memref<128x64xf32, #tpu.memory_space<vmem>>, vector<128x64xf32>
    %dot_general3A = arith.constant dense<0.000000e+00> : vector<10000x64xf32>
    %dot_general3A_5 = tpu.matmul %get3A_1, %get3A_4, %dot_general3A {dimension_numbers = #tpu.dot_dimension_numbers<[1], [0], [0], [1], [0, 0, 1, 1], [], []>, transpose_lhs_hint = false} : vector<10000x128xf32>, vector<128x64xf32>, vector<10000x64xf32> -> vector<10000x64xf32>
    %get3A_6 = arith.constant 0 : index
    %get3A_7 = arith.constant 0 : index
    %get3A_8 = vector.load %arg2[%get3A_6, %get3A_7] : memref<1x64xf32, #tpu.memory_space<vmem>>, vector<1x64xf32>
    %add3A = vector.broadcast %get3A_8 : vector<1x64xf32> to vector<10000x64xf32>
    %add3A_9 = arith.addf %dot_general3A_5, %add3A : vector<10000x64xf32>
    %ge3A = arith.constant 0.000000e+00 : f32
    %ge3A_10 = vector.broadcast %ge3A : f32 to vector<10000x64xf32>
    %ge3A_11 = arith.cmpf oge, %add3A_9, %ge3A_10 : vector<10000x64xf32>
    %mul3A = arith.constant 1.000000e-01 : f32
    %mul3A_12 = vector.broadcast %mul3A : f32 to vector<10000x64xf32>
    %mul3A_13 = arith.mulf %mul3A_12, %add3A_9 : vector<10000x64xf32>
    %select_n3A = arith.select %ge3A_11, %add3A_9, %mul3A_13 : vector<10000x64xi1>, vector<10000x64xf32>
    %get3A_14 = arith.constant 0 : index
    %get3A_15 = arith.constant 0 : index
    %get3A_16 = vector.load %arg3[%get3A_14, %get3A_15] : memref<64x128xf32, #tpu.memory_space<vmem>>, vector<64x128xf32>
    %dot_general3A_17 = arith.constant dense<0.000000e+00> : vector<10000x128xf32>
    %dot_general3A_18 = tpu.matmul %select_n3A, %get3A_16, %dot_general3A_17 {dimension_numbers = #tpu.dot_dimension_numbers<[1], [0], [0], [1], [0, 0, 1, 1], [], []>, transpose_lhs_hint = false} : vector<10000x64xf32>, vector<64x128xf32>, vector<10000x128xf32> -> vector<10000x128xf32>
    %get3A_19 = arith.constant 0 : index
    %get3A_20 = arith.constant 0 : index
    %get3A_21 = vector.load %arg4[%get3A_19, %get3A_20] : memref<1x128xf32, #tpu.memory_space<vmem>>, vector<1x128xf32>
    %add3A_22 = vector.broadcast %get3A_21 : vector<1x128xf32> to vector<10000x128xf32>
    %add3A_23 = arith.addf %dot_general3A_18, %add3A_22 : vector<10000x128xf32>
    %reduce_max3A = arith.constant dense<0xFF800000> : vector<128xf32>
    %reduce_max3A_24 = vector.multi_reduction <maximumf>, %add3A_23, %reduce_max3A [0] : vector<10000x128xf32> to vector<128xf32>
    %broadcast_in_dim3A = vector.shape_cast %reduce_max3A_24 : vector<128xf32> to vector<1x128xf32>
    %sub3A = vector.broadcast %broadcast_in_dim3A : vector<1x128xf32> to vector<10000x128xf32>
    %sub3A_25 = arith.subf %add3A_23, %sub3A : vector<10000x128xf32>
    %exp3A = math.exp %sub3A_25 : vector<10000x128xf32>
    %swap3A = arith.constant 0 : index
    %swap3A_26 = arith.constant 0 : index
    %swap3A_27 = vector.load %arg5[%swap3A, %swap3A_26] : memref<20000x128xf32, #tpu.memory_space<vmem>>, vector<10000x128xf32>
    tpu.vector_store %arg5[%swap3A, %swap3A_26], %exp3A {strides = array<i32>} : memref<20000x128xf32, #tpu.memory_space<vmem>>, vector<10000x128xf32>,
    %mul3A_28 = arith.mulf %exp3A, %add3A_23 : vector<10000x128xf32>
    %swap3A_29 = arith.constant 10000 : index
    %swap3A_30 = arith.constant 0 : index
    %swap3A_31 = vector.load %arg5[%swap3A_29, %swap3A_30] : memref<20000x128xf32, #tpu.memory_space<vmem>>, vector<10000x128xf32>
    tpu.vector_store %arg5[%swap3A_29, %swap3A_30], %mul3A_28 {strides = array<i32>} : memref<20000x128xf32, #tpu.memory_space<vmem>>, vector<10000x128xf32>,
    return
  }
}

module attributes {stable_mosaic.version = 14 : i64} {
  func.func @_stage_c_body(%arg0: memref<10000x128xf32, #tpu.memory_space<vmem>>, %arg1: memref<10000x128xf32, #tpu.memory_space<vmem>>, %arg2: memref<10000x128xf32, #tpu.memory_space<vmem>>, %arg3: memref<10000x1xf32, #tpu.memory_space<vmem>>, %arg4: memref<10000x1xi32, #tpu.memory_space<vmem>>, %arg5: memref<128x64xf32, #tpu.memory_space<vmem>>, %arg6: memref<128x64xf32, #tpu.memory_space<vmem>>, %arg7: memref<1x64xf32, #tpu.memory_space<vmem>>, %arg8: memref<64x128xf32, #tpu.memory_space<vmem>>, %arg9: memref<1x128xf32, #tpu.memory_space<vmem>>, %arg10: memref<1x64xf32, #tpu.memory_space<vmem>>, %arg11: memref<1x64xf32, #tpu.memory_space<vmem>>, %arg12: memref<64x128xf32, #tpu.memory_space<vmem>>, %arg13: memref<1x128xf32, #tpu.memory_space<vmem>>, %arg14: memref<128x128xf32, #tpu.memory_space<vmem>>, %arg15: memref<128x128xf32, #tpu.memory_space<vmem>>, %arg16: memref<1x128xf32, #tpu.memory_space<vmem>>, %arg17: memref<128x1xf32, #tpu.memory_space<vmem>>, %arg18: memref<1x1xf32, #tpu.memory_space<vmem>>, %arg19: memref<10000x1xf32, #tpu.memory_space<vmem>>) attributes {dimension_semantics = [], scalar_prefetch = 0 : i64, scratch_operands = 0 : i64, tpu.core_type = #tpu.core_type<tc>} {
    %get3A = arith.constant 0 : index
    %get3A_0 = arith.constant 0 : index
    %get3A_1 = vector.load %arg0[%get3A, %get3A_0] : memref<10000x128xf32, #tpu.memory_space<vmem>>, vector<10000x128xf32>
    %get3A_2 = arith.constant 0 : index
    %get3A_3 = arith.constant 0 : index
    %get3A_4 = vector.load %arg1[%get3A_2, %get3A_3] : memref<10000x128xf32, #tpu.memory_space<vmem>>, vector<10000x128xf32>
    %gt3A = arith.constant 0.000000e+00 : f32
    %gt3A_5 = vector.broadcast %gt3A : f32 to vector<10000x128xf32>
    %gt3A_6 = arith.cmpf ogt, %get3A_1, %gt3A_5 : vector<10000x128xf32>
    %div3A = arith.divf %get3A_4, %get3A_1 : vector<10000x128xf32>
    %jit3A = arith.constant 0.000000e+00 : f32
    %broadcast_in_dim3A = vector.broadcast %jit3A : f32 to vector<10000x128xf32>
    %select_n3A = arith.select %gt3A_6, %div3A, %broadcast_in_dim3A : vector<10000x128xi1>, vector<10000x128xf32>
    %get3A_7 = arith.constant 0 : index
    %get3A_8 = arith.constant 0 : index
    %get3A_9 = vector.load %arg2[%get3A_7, %get3A_8] : memref<10000x128xf32, #tpu.memory_space<vmem>>, vector<10000x128xf32>
    %get3A_10 = arith.constant 0 : index
    %get3A_11 = arith.constant 0 : index
    %get3A_12 = vector.load %arg5[%get3A_10, %get3A_11] : memref<128x64xf32, #tpu.memory_space<vmem>>, vector<128x64xf32>
    %dot_general3A = arith.constant dense<0.000000e+00> : vector<10000x64xf32>
    %dot_general3A_13 = tpu.matmul %select_n3A, %get3A_12, %dot_general3A {dimension_numbers = #tpu.dot_dimension_numbers<[1], [0], [0], [1], [0, 0, 1, 1], [], []>, transpose_lhs_hint = false} : vector<10000x128xf32>, vector<128x64xf32>, vector<10000x64xf32> -> vector<10000x64xf32>
    %get3A_14 = arith.constant 0 : index
    %get3A_15 = arith.constant 0 : index
    %get3A_16 = vector.load %arg6[%get3A_14, %get3A_15] : memref<128x64xf32, #tpu.memory_space<vmem>>, vector<128x64xf32>
    %dot_general3A_17 = arith.constant dense<0.000000e+00> : vector<10000x64xf32>
    %dot_general3A_18 = tpu.matmul %get3A_9, %get3A_16, %dot_general3A_17 {dimension_numbers = #tpu.dot_dimension_numbers<[1], [0], [0], [1], [0, 0, 1, 1], [], []>, transpose_lhs_hint = false} : vector<10000x128xf32>, vector<128x64xf32>, vector<10000x64xf32> -> vector<10000x64xf32>
    %add3A = arith.addf %dot_general3A_13, %dot_general3A_18 : vector<10000x64xf32>
    %get3A_19 = arith.constant 0 : index
    %get3A_20 = arith.constant 0 : index
    %get3A_21 = vector.load %arg7[%get3A_19, %get3A_20] : memref<1x64xf32, #tpu.memory_space<vmem>>, vector<1x64xf32>
    %add3A_22 = vector.broadcast %get3A_21 : vector<1x64xf32> to vector<10000x64xf32>
    %add3A_23 = arith.addf %add3A, %add3A_22 : vector<10000x64xf32>
    %ge3A = arith.constant 0.000000e+00 : f32
    %ge3A_24 = vector.broadcast %ge3A : f32 to vector<10000x64xf32>
    %ge3A_25 = arith.cmpf oge, %add3A_23, %ge3A_24 : vector<10000x64xf32>
    %mul3A = arith.constant 1.000000e-01 : f32
    %mul3A_26 = vector.broadcast %mul3A : f32 to vector<10000x64xf32>
    %mul3A_27 = arith.mulf %mul3A_26, %add3A_23 : vector<10000x64xf32>
    %select_n3A_28 = arith.select %ge3A_25, %add3A_23, %mul3A_27 : vector<10000x64xi1>, vector<10000x64xf32>
    %get3A_29 = arith.constant 0 : index
    %get3A_30 = arith.constant 0 : index
    %get3A_31 = vector.load %arg8[%get3A_29, %get3A_30] : memref<64x128xf32, #tpu.memory_space<vmem>>, vector<64x128xf32>
    %dot_general3A_32 = arith.constant dense<0.000000e+00> : vector<10000x128xf32>
    %dot_general3A_33 = tpu.matmul %select_n3A_28, %get3A_31, %dot_general3A_32 {dimension_numbers = #tpu.dot_dimension_numbers<[1], [0], [0], [1], [0, 0, 1, 1], [], []>, transpose_lhs_hint = false} : vector<10000x64xf32>, vector<64x128xf32>, vector<10000x128xf32> -> vector<10000x128xf32>
    %get3A_34 = arith.constant 0 : index
    %get3A_35 = arith.constant 0 : index
    %get3A_36 = vector.load %arg9[%get3A_34, %get3A_35] : memref<1x128xf32, #tpu.memory_space<vmem>>, vector<1x128xf32>
    %add3A_37 = vector.broadcast %get3A_36 : vector<1x128xf32> to vector<10000x128xf32>
    %add3A_38 = arith.addf %dot_general3A_33, %add3A_37 : vector<10000x128xf32>
    %get3A_39 = arith.constant 0 : index
    %get3A_40 = arith.constant 0 : index
    %get3A_41 = vector.load %arg4[%get3A_39, %get3A_40] : memref<10000x1xi32, #tpu.memory_space<vmem>>, vector<10000x1xi32>
    %ne3A = arith.constant 1 : i32
    %ne3A_42 = vector.broadcast %ne3A : i32 to vector<10000x1xi32>
    %ne3A_43 = arith.cmpi ne, %get3A_41, %ne3A_42 : vector<10000x1xi32>
    %max3A = arith.constant 0.000000e+00 : f32
    %max3A_44 = vector.broadcast %max3A : f32 to vector<10000x128xf32>
    %max3A_45 = arith.maximumf %add3A_38, %max3A_44 : vector<10000x128xf32>
    %broadcast_in_dim3A_46 = vector.shape_cast %ne3A_43 : vector<10000x1xi1> to vector<10000x1xi1>
    %broadcast_in_dim3A_47 = vector.broadcast %broadcast_in_dim3A_46 : vector<10000x1xi1> to vector<10000x128xi1>
    %select_n3A_48 = arith.select %broadcast_in_dim3A_47, %max3A_45, %add3A_38 : vector<10000x128xi1>, vector<10000x128xf32>
    %get3A_49 = arith.constant 0 : index
    %get3A_50 = arith.constant 0 : index
    %get3A_51 = vector.load %arg3[%get3A_49, %get3A_50] : memref<10000x1xf32, #tpu.memory_space<vmem>>, vector<10000x1xf32>
    %get3A_52 = arith.constant 0 : index
    %get3A_53 = arith.constant 0 : index
    %get3A_54 = vector.load %arg10[%get3A_52, %get3A_53] : memref<1x64xf32, #tpu.memory_space<vmem>>, vector<1x64xf32>
    %mul3A_55 = vector.broadcast %get3A_51 : vector<10000x1xf32> to vector<10000x64xf32>
    %mul3A_56 = vector.broadcast %get3A_54 : vector<1x64xf32> to vector<10000x64xf32>
    %mul3A_57 = arith.mulf %mul3A_55, %mul3A_56 : vector<10000x64xf32>
    %get3A_58 = arith.constant 0 : index
    %get3A_59 = arith.constant 0 : index
    %get3A_60 = vector.load %arg11[%get3A_58, %get3A_59] : memref<1x64xf32, #tpu.memory_space<vmem>>, vector<1x64xf32>
    %add3A_61 = vector.broadcast %get3A_60 : vector<1x64xf32> to vector<10000x64xf32>
    %add3A_62 = arith.addf %mul3A_57, %add3A_61 : vector<10000x64xf32>
    %ge3A_63 = arith.constant 0.000000e+00 : f32
    %ge3A_64 = vector.broadcast %ge3A_63 : f32 to vector<10000x64xf32>
    %ge3A_65 = arith.cmpf oge, %add3A_62, %ge3A_64 : vector<10000x64xf32>
    %mul3A_66 = arith.constant 1.000000e-01 : f32
    %mul3A_67 = vector.broadcast %mul3A_66 : f32 to vector<10000x64xf32>
    %mul3A_68 = arith.mulf %mul3A_67, %add3A_62 : vector<10000x64xf32>
    %select_n3A_69 = arith.select %ge3A_65, %add3A_62, %mul3A_68 : vector<10000x64xi1>, vector<10000x64xf32>
    %get3A_70 = arith.constant 0 : index
    %get3A_71 = arith.constant 0 : index
    %get3A_72 = vector.load %arg12[%get3A_70, %get3A_71] : memref<64x128xf32, #tpu.memory_space<vmem>>, vector<64x128xf32>
    %dot_general3A_73 = arith.constant dense<0.000000e+00> : vector<10000x128xf32>
    %dot_general3A_74 = tpu.matmul %select_n3A_69, %get3A_72, %dot_general3A_73 {dimension_numbers = #tpu.dot_dimension_numbers<[1], [0], [0], [1], [0, 0, 1, 1], [], []>, transpose_lhs_hint = false} : vector<10000x64xf32>, vector<64x128xf32>, vector<10000x128xf32> -> vector<10000x128xf32>
    %get3A_75 = arith.constant 0 : index
    %get3A_76 = arith.constant 0 : index
    %get3A_77 = vector.load %arg13[%get3A_75, %get3A_76] : memref<1x128xf32, #tpu.memory_space<vmem>>, vector<1x128xf32>
    %add3A_78 = vector.broadcast %get3A_77 : vector<1x128xf32> to vector<10000x128xf32>
    %add3A_79 = arith.addf %dot_general3A_74, %add3A_78 : vector<10000x128xf32>
    %get3A_80 = arith.constant 0 : index
    %get3A_81 = arith.constant 0 : index
    %get3A_82 = vector.load %arg14[%get3A_80, %get3A_81] : memref<128x128xf32, #tpu.memory_space<vmem>>, vector<128x128xf32>
    %dot_general3A_83 = arith.constant dense<0.000000e+00> : vector<10000x128xf32>
    %dot_general3A_84 = tpu.matmul %select_n3A_48, %get3A_82, %dot_general3A_83 {dimension_numbers = #tpu.dot_dimension_numbers<[1], [0], [0], [1], [0, 0, 1, 1], [], []>, transpose_lhs_hint = false} : vector<10000x128xf32>, vector<128x128xf32>, vector<10000x128xf32> -> vector<10000x128xf32>
    %get3A_85 = arith.constant 0 : index
    %get3A_86 = arith.constant 0 : index
    %get3A_87 = vector.load %arg15[%get3A_85, %get3A_86] : memref<128x128xf32, #tpu.memory_space<vmem>>, vector<128x128xf32>
    %dot_general3A_88 = arith.constant dense<0.000000e+00> : vector<10000x128xf32>
    %dot_general3A_89 = tpu.matmul %add3A_79, %get3A_87, %dot_general3A_88 {dimension_numbers = #tpu.dot_dimension_numbers<[1], [0], [0], [1], [0, 0, 1, 1], [], []>, transpose_lhs_hint = false} : vector<10000x128xf32>, vector<128x128xf32>, vector<10000x128xf32> -> vector<10000x128xf32>
    %add3A_90 = arith.addf %dot_general3A_84, %dot_general3A_89 : vector<10000x128xf32>
    %get3A_91 = arith.constant 0 : index
    %get3A_92 = arith.constant 0 : index
    %get3A_93 = vector.load %arg16[%get3A_91, %get3A_92] : memref<1x128xf32, #tpu.memory_space<vmem>>, vector<1x128xf32>
    %add3A_94 = vector.broadcast %get3A_93 : vector<1x128xf32> to vector<10000x128xf32>
    %add3A_95 = arith.addf %add3A_90, %add3A_94 : vector<10000x128xf32>
    %ge3A_96 = arith.constant 0.000000e+00 : f32
    %ge3A_97 = vector.broadcast %ge3A_96 : f32 to vector<10000x128xf32>
    %ge3A_98 = arith.cmpf oge, %add3A_95, %ge3A_97 : vector<10000x128xf32>
    %mul3A_99 = arith.constant 1.000000e-01 : f32
    %mul3A_100 = vector.broadcast %mul3A_99 : f32 to vector<10000x128xf32>
    %mul3A_101 = arith.mulf %mul3A_100, %add3A_95 : vector<10000x128xf32>
    %select_n3A_102 = arith.select %ge3A_98, %add3A_95, %mul3A_101 : vector<10000x128xi1>, vector<10000x128xf32>
    %get3A_103 = arith.constant 0 : index
    %get3A_104 = arith.constant 0 : index
    %get3A_105 = vector.load %arg17[%get3A_103, %get3A_104] : memref<128x1xf32, #tpu.memory_space<vmem>>, vector<128x1xf32>
    %dot_general3A_106 = arith.constant dense<0.000000e+00> : vector<10000x1xf32>
    %dot_general3A_107 = tpu.matmul %select_n3A_102, %get3A_105, %dot_general3A_106 {dimension_numbers = #tpu.dot_dimension_numbers<[1], [0], [0], [1], [0, 0, 1, 1], [], []>, transpose_lhs_hint = false} : vector<10000x128xf32>, vector<128x1xf32>, vector<10000x1xf32> -> vector<10000x1xf32>
    %get3A_108 = arith.constant 0 : index
    %get3A_109 = arith.constant 0 : index
    %get3A_110 = vector.load %arg18[%get3A_108, %get3A_109] : memref<1x1xf32, #tpu.memory_space<vmem>>, vector<1x1xf32>
    %add3A_111 = vector.broadcast %get3A_110 : vector<1x1xf32> to vector<10000x1xf32>
    %add3A_112 = arith.addf %dot_general3A_107, %add3A_111 : vector<10000x1xf32>
    %swap3A = arith.constant 0 : index
    %swap3A_113 = arith.constant 0 : index
    %swap3A_114 = vector.load %arg19[%swap3A, %swap3A_113] : memref<10000x1xf32, #tpu.memory_space<vmem>>, vector<10000x1xf32>
    tpu.vector_store %arg19[%swap3A, %swap3A_113], %add3A_112 {strides = array<i32>} : memref<10000x1xf32, #tpu.memory_space<vmem>>, vector<10000x1xf32>,
    return
  }
}

</mosaic_0001>

<sc_bundles>
// kernel: kernel.5.cloned.1.call-start
scs
__scs_entry_jumppad:
0x0: {  	(pc) =	sbr.rel $0x88, $3  }
0x1: {  	(tag) =	ssettag $0x0;
	lr =	simm.s32 $0x1  }
0x2: {  	[smem:$0x3F8D] =	sst lr;
	_ =	strace $0xD0000000  }
0x3: {  	_ = 	snop  }
0x4: {  	_ = 	snop  }
0x5: {  	_ = 	snop  }
0x6: {  	_ = 	snop  }
0x7: {  	_ = 	snop  }
__scs_overlays_trampoline_lowered:
0x8: {  	[smem:$0x3F9C] =	sst s0  }
0x9: {  	[smem:$0x3F9D] =	sst s1  }
0xa: {  	[smem:$0x3F9E] =	sst s2  }
0xb: {  	[smem:$0x3F9F] =	sst s3  }
0xc: {  	[smem:$0x3FA0] =	sst s4  }
0xd: {  	[smem:$0x3FA1] =	sst s5  }
0xe: {  	[smem:$0x3FA2] =	sst s6  }
0xf: {  	[smem:$0x3FA3] =	sst s7  }
0x10: {  	[smem:$0x3FA4] =	sst s8  }
0x11: {  	[smem:$0x3FA5] =	sst s9;
	s0 =	simm.s32 @!p0 $0x0  }
0x12: {  	s1 =	sld [smem:$0x3F8B];
	s0 =	simm.s32 @p0 $0x1  }
0x13: {  	[smem:$0x3FA6] =	sst s0;
	s0 =	simm.s32 @!p1 $0x0  }
0x14: {  	s2 =	sld [smem:$0x3F8A];
	s0 =	simm.s32 @p1 $0x1  }
0x15: {  	[smem:$0x3FA7] =	sst s0;
	s0 =	simm.s32 @!p2 $0x0  }
0x16: {  	s3 =	sld [smem:$0x3FDB];
	s0 =	simm.s32 @p2 $0x1  }
0x17: {  	s4 =	simm.s32 $0x1BF5;
	[smem:$0x3FA9] =	sst s0  }
0x18: {  	s0 =	sld [smem:$0x3F8C];
	_ =	swait.ge [sflag:s4], $0x0  }
0x19: {  	s7 =	sld [smem:$0x3F8D]  }
0x1a: {  	s8 =	sadd.s32 $0xFFFFE003, lr  }
0x1b: {  	s9 =	sadd.s32 $0xFFFFFEF7, lr;
	s5 =	simm.s32 $0xFFFFFFFF;
	p2 =	slt.u32 s8, $0xFFFFF086  }
0x1c: {  	p1 =	slt.u32 s9, $0xF7A;
	s5 =	simm.s32 @!p2 $0x0  }
0x1d: {  	s5 =	simm.s32 @p1 $0x1;
	p0 =	seq.s32 s7, s2  }
0x1e: {  	s7 =	smul.u32 @!p0 $0xF7A, s2;
	p2 =	seq.s32 @!p0 s5, $0x0  }
0x1f: {  	s9 =	smul.u32 $0xF7A, s1;
	s8 =	simm.s32 @!p0 $0x1BF5;
	p2 =	por !p2, p0  }
0x20: {  	[sflag:s8] =	ssyncset.s32 @!p0 $0xFFFFF086;
	s6 =	sadd.s32 @!p0 s3, s7;
	s7 =	simm.s32 @!p0 $0x108  }
0x21: {  	s3 =	sadd.s32 s3, s9;
	s6 =	sadd.s32 @!p0 $0x88, s6;
	s7 =	simm.s32 @p2 $0x1082  }
0x22: {  	[simem:s7], [sflag:s8] =	dma.local @!p0 [hbm:s6], $0xF7A  }
0x23: {  	s9 =	sor.u32 $0xD0000000, s2;
	s6 =	simm.s32 $0x108;
	_ =	swait.ge @!p0 [sflag:s8], $0x0  }
0x24: {  	s3 =	sadd.s32 $0x88, s3;
	s6 =	simm.s32 @!p1 $0x1082;
	[sflag:s4] =	ssyncset.s32 $0xFFFFF086  }
0x25: {  	[simem:s6], [sflag:s4] =	dma.local [hbm:s3], $0xF7A  }
0x26: {  	[smem:$0x3F8D] =	sst s1;
	(tag) =	ssettag s2;
	_ =	strace s9  }
0x27: {  	s1 =	sld [smem:$0x3F9D]  }
0x28: {  	s2 =	sld [smem:$0x3F9E]  }
0x29: {  	s4 =	sld [smem:$0x3FA0]  }
0x2a: {  	p0 =	seq.s32 s5, $0x0;
	s5 =	sld [smem:$0x3FA1]  }
0x2b: {  	s6 =	sld [smem:$0x3FA2]  }
0x2c: {  	s7 =	sld [smem:$0x3FA3]  }
0x2d: {  	s3 =	simm.s32 $0x108;
	s8 =	sld [smem:$0x3FA4]  }
0x2e: {  	s3 =	simm.s32 @!p0 $0x1082;
	s9 =	sld [smem:$0x3FA5]  }
0x2f: {  	lr =	sadd.s32 s0, s3;
	s0 =	sld [smem:$0x3F9C]  }
0x30: {  	s3 =	sld [smem:$0x3F9F]  }
0x31: {  	[smem:$0x3FA8] =	sst s10  }
0x32: {  	s10 =	sld [smem:$0x3FA6];
	_ =	sdelay $0x3  }
0x33: {  	p0 =	seq.s32 s10, $0x1;
	s10 =	sld [smem:$0x3FA8];
	_ =	sdelay $0x3  }
0x34: {  	[smem:$0x3FA8] =	sst s10  }
0x35: {  	s10 =	sld [smem:$0x3FA7];
	_ =	sdelay $0x3  }
0x36: {  	p1 =	seq.s32 s10, $0x1;
	s10 =	sld [smem:$0x3FA8];
	_ =	sdelay $0x3  }
0x37: {  	[smem:$0x3FA8] =	sst s10  }
0x38: {  	s10 =	sld [smem:$0x3FA9]  }
0x39: {  	_ = 	snop;
	(pc) =	sbr.ind lr, $3  }
0x3a: {  	_ = 	snop  }
0x3b: {  	_ = 	snop  }
0x3c: {  	p2 =	seq.s32 s10, $0x1;
	s10 =	sld [smem:$0x3FA8]  }
0x3d: {  	_ =	shalt  }
0x3e: {  	_ =	shalt  }
0x3f: {  	_ =	shalt  }
0x40: {  	_ =	shalt  }
0x41: {  	_ =	shalt  }
0x42: {  	_ =	shalt  }
0x43: {  	_ =	shalt  }
0x44: {  	_ =	shalt  }
0x45: {  	_ =	shalt  }
0x46: {  	_ =	shalt  }
0x47: {  	_ =	shalt  }
0x48: {  	_ =	shalt  }
0x49: {  	_ =	shalt  }
0x4a: {  	_ =	shalt  }
0x4b: {  	_ =	shalt  }
0x4c: {  	_ =	shalt  }
0x4d: {  	_ =	shalt  }
0x4e: {  	_ =	shalt  }
0x4f: {  	_ =	shalt  }
0x50: {  	_ =	shalt  }
0x51: {  	_ =	shalt  }
0x52: {  	_ =	shalt  }
0x53: {  	_ =	shalt  }
0x54: {  	_ =	shalt  }
0x55: {  	_ =	shalt  }
0x56: {  	_ =	shalt  }
0x57: {  	_ =	shalt  }
0x58: {  	_ =	shalt  }
0x59: {  	_ =	shalt  }
0x5a: {  	_ =	shalt  }
0x5b: {  	_ =	shalt  }
0x5c: {  	_ =	shalt  }
0x5d: {  	_ =	shalt  }
0x5e: {  	_ =	shalt  }
0x5f: {  	_ =	shalt  }
0x60: {  	_ =	shalt  }
0x61: {  	_ =	shalt  }
0x62: {  	_ =	shalt  }
0x63: {  	_ =	shalt  }
0x64: {  	_ =	shalt  }
0x65: {  	_ =	shalt  }
0x66: {  	_ =	shalt  }
0x67: {  	_ =	shalt  }
0x68: {  	_ =	shalt  }
0x69: {  	_ =	shalt  }
0x6a: {  	_ =	shalt  }
0x6b: {  	_ =	shalt  }
0x6c: {  	_ =	shalt  }
0x6d: {  	_ =	shalt  }
0x6e: {  	_ =	shalt  }
0x6f: {  	_ =	shalt  }
0x70: {  	_ =	shalt  }
0x71: {  	_ =	shalt  }
0x72: {  	_ =	shalt  }
0x73: {  	_ =	shalt  }
0x74: {  	_ =	shalt  }
0x75: {  	_ =	shalt  }
0x76: {  	_ =	shalt  }
0x77: {  	_ =	shalt  }
0x78: {  	_ =	shalt  }
0x79: {  	_ =	shalt  }
0x7a: {  	_ =	shalt  }
0x7b: {  	_ =	shalt  }
0x7c: {  	_ =	shalt  }
0x7d: {  	_ =	shalt  }
0x7e: {  	_ =	shalt  }
0x7f: {  	_ =	shalt  }
0x80: {  	_ =	shalt  }
0x81: {  	_ =	shalt  }
0x82: {  	_ =	shalt  }
0x83: {  	_ =	shalt  }
0x84: {  	_ =	shalt  }
0x85: {  	_ =	shalt  }
0x86: {  	_ =	shalt  }
0x87: {  	_ =	shalt  }
.Lfunc_end0:
.L_simem_size_0:
called_computation_lowered:
.L_overlay_start_0:
0x88: {  	s2 =	sld [smem:$0x3FD9]  }
0x89: {  	s3 =	sld [smem:$0x3FFE];
	_ =	sdelay $0x1  }
0x8a: {  	s1 =	srdreg.scid  }
0x8b: {  	s0 =	sand.u32 $0x1, s1  }
0x8c: {  	s16 =	sshll.u32 s0, $0xA;
	s2 =	sadd.s32 s3, s2  }
0x8d: {  	s2 =	sadd.s32 s2, s16  }
0x8e: {  	[smem:$0x3FB4] =	sst s2  }
0x8f: {  	_ = 	snop  }
0x90: {  	(tm) =	ssettm $0x1  }
0x91: {  	s17 =	sld [smem:$0x3FFB];
	_ =	sdelay $0x3  }
0x92: {  	_ =	strace s17  }
0x93: {  	s2 =	sld [smem:$0x3FFC];
	_ =	sdelay $0x3  }
0x94: {  	_ =	strace s2  }
0x95: {  	s2 =	sld [smem:$0x3FFD];
	_ =	sdelay $0x3  }
0x96: {  	_ =	strace s2  }
0x97: {  	_ =	strace $0x8FFFFFFF  }
0x98: {  	s18 =	sld [smem:$0x3FDB];
	_ =	sdelay $0x1  }
0x99: {  	s19 =	simm.s32 $_scs_section_size  }
0x9a: {  	s4 =	simm.s32 $_size__tile_overlayer_lowered;
	s5 =	simm.s32 $_tile_overlayer_lowered  }
0x9b: {  	s22 =	simm.s32 $0x1BFF;
	s21 =	sshll.u32 s5, $0x1;
	s2 =	sadd.s32 s19, s18  }
0x9c: {  	s6 =	simm.s32 $0x0;
	s20 =	sshll.u32 s4, $0x1;
	s4 =	sadd.s32 s21, s2  }
0x9d: {  	[timem:s6], [sflag:s22] =	dma.local [hbm:s4], s20  }
0x9e: {  	_ =	swait.ge [sflag:s22], s20  }
0x9f: {  	s3 =	ssub.s32 $0x0, s20;
	[sflag:s22] =	ssyncset.done $0x0  }
0xa0: {  	[sflag:s22] =	ssyncadd.s32 s3;
	_ =	sdelay $0x1  }
0xa1: {  	s23 =	simm.s32 $0x1B8B  }
0xa2: {  	_ =	swait.ge [sflag:s23], $0x1  }
0xa3: {  	[sflag:s23] =	ssyncset.done $0x0  }
0xa4: {  	s25 =	simm.s32 $0x1B8E;
	s24 =	sld [smem:$0x3FFE];
	[sflag:s23] =	ssyncadd.s32 $0xFFFFFFFF  }
0xa5: {  	s26 =	simm.s32 $execute0_lowered;
	[smem:$0x3FD2] =	sst s25  }
0xa6: {  	s4 =	sshll.u32 s26, $0x1;
	_ =	strace $0x80000046;
	[dreg:$0x1] =	wrdreg $0xFFFFFFFF  }
0xa7: {  	s28 =	simm.s32 $_size_execute0_lowered;
	s2 =	sadd.s32 s2, s4;
	[dreg:$0x0] =	wrdreg $0x0  }
0xa8: {  	s4 =	sshll.u32 s28, $0x1;
	[dreg:$0x2] =	wrdreg s2  }
0xa9: {  	[dreg:$0x3] =	wrdreg s4  }
0xaa: {  	[dreg:$0x4] =	wrdreg $0xC0  }
0xab: {  	_ =	task [dreg:s6], $0x5FFFF  }
0xac: {  	[dreg:$0x1] =	wrdreg $0xFFFFFFFF  }
0xad: {  	[dreg:$0x0] =	wrdreg $0x60  }
0xae: {  	[dreg:$0x2] =	wrdreg s24  }
0xaf: {  	[dreg:$0x3] =	wrdreg $0x52000  }
0xb0: {  	[dreg:$0x4] =	wrdreg $0x9  }
0xb1: {  	_ =	task.clear_ibuf [dreg:s6], $0x5FFFF;
	_ =	strace $0x90000046  }
0xb2: {  	s29 =	simm.s32 $0x9;
	_ =	strace $0x80000048  }
0xb3: {  	_ =	swait.ge [sflag:s29], $0x1  }
0xb4: {  	[sflag:s29] =	ssyncadd.s32 $0xFFFFFFFF  }
0xb5: {  	_ =	strace $0x90000048  }
0xb6: {  	_ =	sfence  }
0xb7: {  	s30 =	sld [smem:$0x0];
	_ =	sdelay $0x2  }
0xb8: {  	s31 =	sshll.u32 s1, $0xD;
	s1 =	sshrl.u32 s1, $0x2  }
0xb9: {  	s3 =	sand.u32 $0x4000, s31;
	s1 =	sadd.s32 s1, s30  }
0xba: {  	s0 =	sor.u32 s3, s0;
	s1 =	sshll.u32 s1, $0x11  }
0xbb: {  	s0 =	sor.u32 s1, s0  }
0xbc: {  	s0 =	sadd.s32 $0x8F2B, s0  }
0xbd: {  	[sflag:s0] =	ssyncadd.remote.s32 $0x1  }
0xbe: {  	_ =	sfence.sel $0xFFFF  }
0xbf: {  	[dreg:$0x0] =	wrdreg $0xFFFFFFFF;
	(pc) =	sbr.abs _section_cstart, $3  }
0xc0: {  	[dreg:$0x1] =	wrdreg $0xFFFFFFFF  }
0xc1: {  	_ =	task.clear_ibuf [dreg:s6], $0x2FFFF;
	_ =	strace $0x9FFFFFFF  }
0xc2: {  	(tm) =	ssettm $0x7FFFFFFF  }
0xc3: {  	_ =	shalt  }
tec
execute0_lowered:
.L_overlay_start_1:
0x0: {  	(tag) =	ssettag $0x1  }
0x1: {  	s7 =	rddreg [dreg:$0x0]  }
0x2: {  	s2 =	rddreg [dreg:$0x1]  }
0x3: {  	s0 =	rddreg [dreg:$0x2]  }
0x4: {  	s3 =	simm.s32 $0x0;
	s1 =	stileid.u32;
	s5 =	srdreg.scid  }
0x5: {  	[smem:$0x7FF] =	sst s3;
	s12 =	sadd.s32 $0xCC00, s7;
	s9 =	smul.u32 $0x13800, s1  }
0x6: {  	s13 =	sadd.s32 $0x2E00, s7;
	s4 =	sadd.s32 $0x20600, s7;
	s30 =	smul.u32 $0x4E000, s1  }
0x7: {  	s8 =	sand.u32 $0x1, s5;
	s11 =	smul.u32 $0x4E20, s1;
	s14 =	sadd.s32 $0x95A00, s7  }
0x8: {  	s22 =	sshll.u32 s1, $0x6;
	s19 =	sadd.s32 $0x138000, s2;
	p0 =	sne.s32 s1, $0xF  }
0x9: {  	_ =	strace $0x80000047;
	s10 =	ssub.s32 $0x2, s8;
	s18 =	sshll.u32 s8, $0x7  }
0xa: {  	s24 =	smul.u32 $0x138800, s8;
	s21 =	sshll.u32 s8, $0x4;
	s6 =	sshrl.u32 s9, $0x3  }
0xb: {  	s15 =	sshrl.u32 s10, $0x1;
	s5 =	sshrl.u32 s30, $0x2;
	s31 =	sadd.s32 $0x4E00, s11  }
0xc: {  	s23 =	sand.u32 $0x60, s11;
	s20 =	sshrl.u32 s11, $0x7;
	s6 =	sadd.s32 s6, s7  }
0xd: {  	s15 =	ssub.s32 s10, s15;
	s16 =	sadd.s32 s5, s2;
	s17 =	sshll.u32 s31, $0x1  }
0xe: {  	s7 =	sadd.s32 $0x95800, s7;
	s10 =	sshrl.u32 s31, $0x3;
	s26 =	sadd.s32 s9, s24  }
0xf: {  	s29 =	sshrl.u32 s24, $0x3;
	s30 =	sshll.u32 s20, $0x5;
	s31 =	sshll.u32 s20, $0x4  }
0x10: {  	s20 =	simm.s32 $0x1;
	s24 =	simm.s32 $0x4200;
	s5 =	sadd.s32 $0x6E800, s6  }
0x11: {  	s6 =	sor.u32 $0x1C02, s22;
	s17 =	sand.u32 $0x1FFF00, s17;
	s9 =	sadd.s32 s13, s10  }
0x12: {  	s28 =	sshrl.u32 s26, $0x3;
	s11 =	sadd.s32 s14, s29;
	s13 =	sadd.s32 s31, s13  }
0x13: {  	s22 =	simm.s32 $0x4180;
	s17 =	sor.u32 s18, s17;
	s10 =	sadd.s32 s14, s28  }
0x14: {  	s11 =	sadd.s32 $0x27000, s11;
	s14 =	sadd.s32 s30, s12;
	s18 =	simm.s32 $0x80  }
0x15: {  	s17 =	sor.u32 s23, s17;
	s14 =	sadd.s32 s21, s14;
	s21 =	simm.s32 $0x4100  }
0x16: {  	s23 =	simm.s32 $0x20;
	s25 =	sshrl.u32 s17, $0x3;
	s17 =	sshrl.u32 @!p0 s19, $0x3  }
0x17: {  	s19 =	simm.s32 $0x100;
	s8 =	sadd.s32 s12, s25;
	s12 =	smax.u32 s15, $0x1  }
0x18: {  	s15 =	sshrl.u32 s16, $0x3;
	s16 =	simm.s32 $0x2;
	s25 =	simm.s32 $0x0  }
.LBB2_1:
0x19: {  	[spmem:s15], [sflag:s6] =	dma.local [hbm:s5], $0x2700  }
0x1a: {  	_ =	swait.ge [sflag:s16], $0x2700  }
0x1b: {  	[sflag:s16] =	ssyncset.done $0x0  }
0x1c: {  	s26 =	simm.s32 @!p0 $0x2;
	[sflag:s16] =	ssyncadd.s32 $0xFFFFD900  }
0x1d: {  	[spmem:s17], [sflag:s6] =	dma.local @!p0 [hbm:s7], $0x100  }
0x1e: {  	_ =	swait.ge @!p0 [sflag:s26], $0x100  }
0x1f: {  	[sflag:s26] =	ssyncset.done @!p0 $0x0  }
0x20: {  	[sflag:s26] =	ssyncadd.s32 @!p0 $0xFFFFFF00  }
0x21: {  	[bflag:$0x0] =	sbarrier.arrive $0xFFFF  }
0x22: {  	[tilespmem:s3], [sflag:$0x2] =	stream.linear.gather [hbm4b:s14+s3], $0x80, $0x38;
	[tilespmem:$0x18A80] =	vst v63  }
0x23: {  	_ =	swait.ge [sflag:s16], $0x80  }
0x24: {  	[sflag:s16] =	ssyncset.done $0x0  }
0x25: {  	s31 =	sadd.s32 $0x0, s13;
	[sflag:s16] =	ssyncadd.s32 $0xFFFFFF80  }
0x26: {  	[tilespmem:s18], [sflag:$0x2] =	stream.linear.gather [hbm4b:s31+s3], $0x80, $0x38;
	[tilespmem:$0x18A80] =	vst v63  }
0x27: {  	_ =	swait.ge [sflag:s16], $0x80  }
0x28: {  	[sflag:s16] =	ssyncset.done $0x0  }
0x29: {  	[sflag:s16] =	ssyncadd.s32 $0xFFFFFF80  }
0x2a: {  	[tilespmem:s19], [sflag:$0x1] =	stream.indirect.gather [hbm4b:s4+s18], $0x80, s3, s18, $0xb8;
	[tilespmem:$0x18A80] =	vst v63  }
0x2b: {  	_ =	swait.ge [sflag:s20], $0x4000  }
0x2c: {  	[sflag:s20] =	ssyncset.done $0x0  }
0x2d: {  	[sflag:s20] =	ssyncadd.s32 $0xFFFFC000  }
0x2e: {  	[spmem:s2] =	stream.indirect.scatter.add.f32 [tilespmem:s19], [sflag:$0x2], $0x80, s18, s18, $0xb8;
	[tilespmem:$0x18A80] =	vst v63  }
0x2f: {  	_ =	swait.ge [sflag:s16], $0x4000  }
0x30: {  	s28 =	smov.u32 s14;
	s26 =	simm.s32 $0x10;
	[sflag:s16] =	ssyncset.done $0x0  }
.LBB2_2:
0x31: {  	p1 =	sne.s32 s26, $0x9B0;
	[sflag:s16] =	ssyncadd.s32 $0xFFFFC000;
	s28 =	sadd.s32 $0x20, s28  }
0x32: {  	[tilespmem:s3], [sflag:$0x2] =	stream.linear.gather [hbm4b:s28+s3], $0x80, $0x38;
	[tilespmem:$0x18A80] =	vst v63  }
0x33: {  	s29 =	smov.u32 s26;
	s26 =	sadd.s32 $0x10, s26;
	_ =	swait.ge [sflag:s16], $0x80  }
0x34: {  	[sflag:s16] =	ssyncset.done $0x0  }
0x35: {  	s29 =	sadd.s32 s29, s13;
	[sflag:s16] =	ssyncadd.s32 $0xFFFFFF80  }
0x36: {  	[tilespmem:s18], [sflag:$0x2] =	stream.linear.gather [hbm4b:s29+s3], $0x80, $0x38;
	[tilespmem:$0x18A80] =	vst v63  }
0x37: {  	_ =	swait.ge [sflag:s16], $0x80  }
0x38: {  	[sflag:s16] =	ssyncset.done $0x0  }
0x39: {  	[sflag:s16] =	ssyncadd.s32 $0xFFFFFF80  }
0x3a: {  	[tilespmem:s19], [sflag:$0x1] =	stream.indirect.gather [hbm4b:s4+s18], $0x80, s3, s18, $0xb8;
	[tilespmem:$0x18A80] =	vst v63  }
0x3b: {  	_ =	swait.ge [sflag:s20], $0x4000  }
.Ltmp0:
0x3c: {  	[sflag:s20] =	ssyncset.done $0x0;
	(pc) =	sbr.rel @p1 .LBB2_2-.Ltmp0, $4  }
0x3d: {  	[sflag:s20] =	ssyncadd.s32 $0xFFFFC000  }
0x3e: {  	[spmem:s2] =	stream.indirect.scatter.add.f32 [tilespmem:s19], [sflag:$0x2], $0x80, s18, s18, $0xb8;
	[tilespmem:$0x18A80] =	vst v63  }
0x3f: {  	_ =	swait.ge [sflag:s16], $0x4000  }
0x40: {  	[sflag:s16] =	ssyncset.done $0x0  }
0x41: {  	[sflag:s16] =	ssyncadd.s32 $0xFFFFC000  }
0x42: {  	[tilespmem:s21], [sflag:$0x2] =	stream.linear.gather [hbm4b:s8+s3], $0x20, $0x38;
	[tilespmem:$0x18A80] =	vst v63  }
0x43: {  	_ =	swait.ge [sflag:s16], $0x20  }
0x44: {  	[sflag:s16] =	ssyncset.done $0x0  }
0x45: {  	[sflag:s16] =	ssyncadd.s32 $0xFFFFFFE0  }
0x46: {  	[tilespmem:s22], [sflag:$0x2] =	stream.linear.gather [hbm4b:s9+s3], $0x20, $0x38;
	[tilespmem:$0x18A80] =	vst v63  }
0x47: {  	_ =	swait.ge [sflag:s16], $0x20  }
0x48: {  	[sflag:s16] =	ssyncset.done $0x0  }
0x49: {  	[sflag:s16] =	ssyncadd.s32 $0xFFFFFFE0  }
0x4a: {  	[tilespmem:s24], [sflag:$0x1] =	stream.indirect.gather [hbm4b:s4+s23], $0x80, s21, s23, $0xb8;
	[tilespmem:$0x18A80] =	vst v63  }
0x4b: {  	_ =	swait.ge [sflag:s20], $0x1000  }
0x4c: {  	[sflag:s20] =	ssyncset.done $0x0  }
0x4d: {  	[sflag:s20] =	ssyncadd.s32 $0xFFFFF000  }
0x4e: {  	[spmem:s2] =	stream.indirect.scatter.add.f32 [tilespmem:s24], [sflag:$0x2], $0x80, s22, s23, $0xb8;
	[tilespmem:$0x18A80] =	vst v63  }
0x4f: {  	_ =	swait.ge [sflag:s16], $0x1000  }
0x50: {  	[sflag:s16] =	ssyncset.done $0x0  }
0x51: {  	[sflag:s16] =	ssyncadd.s32 $0xFFFFF000  }
0x52: {  	[bflag:$0x0] =	sbarrier.arrive $0xFFFF  }
0x53: {  	[hbm:s10], [sflag:s6] =	dma.local [spmem:s15], $0x2700  }
0x54: {  	s25 =	sadd.s32 $0x1, s25;
	_ =	swait.ge [sflag:s16], $0x2700  }
0x55: {  	p1 =	sne.s32 s25, s12;
	[sflag:s16] =	ssyncset.done $0x0  }
.Ltmp1:
0x56: {  	s26 =	simm.s32 @!p0 $0x2;
	[sflag:s16] =	ssyncadd.s32 $0xFFFFD900;
	(pc) =	sbr.rel @p1 .LBB2_1-.Ltmp1, $4  }
0x57: {  	[hbm:s11], [sflag:s6] =	dma.local @!p0 [spmem:s17], $0x100  }
0x58: {  	_ =	swait.ge @!p0 [sflag:s26], $0x100  }
0x59: {  	[sflag:s26] =	ssyncset.done @!p0 $0x0  }
0x5a: {  	[sflag:s26] =	ssyncadd.s32 @!p0 $0xFFFFFF00  }
0x5b: {  	_ =	sfence.sel $0x180000  }
0x5c: {  	[bflag:$0x0] =	sbarrier.arrive $0xFFFF  }
0x5d: {  	p0 =	sne.s32 s1, $0x0;
	_ =	strace $0x90000047  }
0x5e: {  	s0 =	sadd.s32 @!p0 $0x100000, s0;
	[bflag:$0x2] =	sbarrier.arrive $0xFFFF  }
0x5f: {  	[sflag:s0] =	ssyncadd.tile.s32 @!p0 $0x1;
	_ =	shalt  }
.Lfunc_end2:
_tile_overlayer_lowered:
.L_overlay_start_2:
0x60: {  	(tag) =	ssettag $0x2  }
0x61: {  	s0 =	rddreg [dreg:$0x0];
	s2 =	stileid.u32  }
0x62: {  	s1 =	rddreg [dreg:$0x1];
	p0 =	sne.s32 s2, $0x0  }
0x63: {  	s3 =	rddreg [dreg:$0x2];
	[bflag:$0x3] =	sbarrier.arrive $0xFFFF;
	s2 =	simm.s32 @!p0 $0x1C02  }
0x64: {  	[timem:s3], [sflag:s2] =	dma.local @!p0 [hbm:s0], s1  }
0x65: {  	s0 =	simm.s32 @!p0 $0x2  }
0x66: {  	_ =	swait.ge @!p0 [sflag:s0], s1  }
0x67: {  	s1 =	ssub.s32 @!p0 $0x0, s1;
	[sflag:s0] =	ssyncset.done @!p0 $0x0  }
0x68: {  	[sflag:s0] =	ssyncadd.s32 @!p0 s1  }
0x69: {  	[bflag:$0x3] =	sbarrier.arrive $0xFFFF  }
0x6a: {  	_ =	shalt  }

</sc_bundles>
